<compile_context>
chip_gen: v7x
topology: tpu7x:2x2x1
jax: 0.10.2.dev20260603
libtpu: 0.0.44.dev20260713+nightly
codegen_flags: <defaults>
</compile_context>

<pallas_src>
import numpy as np
import jax
import jax.numpy as jnp
from jax import lax
from jax.experimental import pallas as pl
from jax.experimental.pallas import tpu as pltpu
from jax.experimental.pallas import tpu_sc as plsc

_E = 8
_L = 16

_SCHED = 1.0 - np.exp(-1.0 / 1.0)
_K = max(int(_E - np.floor(_SCHED * _E)), 1)


def _gate_body(pk_hbm, out_hbm, pk_v, out_v, sem):
    wid = lax.axis_index("s") * 2 + lax.axis_index("c")

    @pl.when(wid == 0)
    def _():
        pltpu.async_copy(pk_hbm, pk_v, sem).wait()

        lanes = lax.iota(jnp.int32, _L)
        lanes8 = lanes & jnp.int32(_E - 1)
        lvv = pk_v[_E, :] + pk_v[_E + 1, :]

        one, zero = jnp.int32(1), jnp.int32(0)
        rank = jnp.zeros((_L,), jnp.int32)
        for j in range(_E):
            lj = lvv[j]
            ahead = (lj > lvv) | ((lj == lvv) & (lanes8 > j))
            rank = rank + jnp.where(ahead, one, zero)
        sel = rank < _K

        xv = jnp.where(sel, lvv, jnp.float32(-1e9))
        m = xv[0]
        for j in range(1, _E):
            m = jnp.maximum(m, xv[j])
        ev = jnp.exp(xv - m)
        es = [ev[j] for j in range(_E)]
        s = es[0]
        for j in range(1, _E):
            s = s + es[j]

        acc = es[0] * pk_v[0, :]
        for j in range(1, _E):
            acc = acc + es[j] * pk_v[j, :]
        out_v[...] = acc / s
        pltpu.sync_copy(out_v, out_hbm)


@jax.jit
def _gate(pk):
    mesh = plsc.VectorSubcoreMesh(core_axis_name="c", subcore_axis_name="s")
    return pl.kernel(
        _gate_body,
        out_type=jax.ShapeDtypeStruct((_L,), jnp.float32),
        mesh=mesh,
        scratch_types=[
            pltpu.VMEM((_E + 2, _L), jnp.float32),
            pltpu.VMEM((_L,), jnp.float32),
            pltpu.SemaphoreType.DMA,
        ],
    )(pk)


def _combine_body(probs_ref, h_ref, o_ref):
    acc = probs_ref[0] * h_ref[0]
    for e in range(1, _E):
        acc = acc + probs_ref[e] * h_ref[e]
    o_ref[...] = acc


@jax.jit
def _combine(probs16, h):
    E, T, D = h.shape
    tt = 256
    return pl.pallas_call(
        _combine_body,
        grid=(T // tt,),
        in_specs=[
            pl.BlockSpec(memory_space=pltpu.SMEM),
            pl.BlockSpec((E, tt, D), lambda i: (0, i, 0)),
        ],
        out_specs=pl.BlockSpec((tt, D), lambda i: (i, 0)),
        out_shape=jax.ShapeDtypeStruct((T, D), jnp.float32),
        compiler_params=pltpu.CompilerParams(
            dimension_semantics=("parallel",),
        ),
    )(probs16, h)


def kernel(h, x, permutation_weights, expert_weights, bias):
    del x
    small = jnp.stack([expert_weights[:, 0], bias])
    pk = jnp.concatenate(
        [
            jnp.concatenate([permutation_weights.T, permutation_weights.T], axis=1),
            jnp.concatenate([small, small], axis=1),
        ],
        axis=0,
    )
    probs16 = _gate(pk)
    return _combine(probs16, h)

# --- scband reference (transcript-rebuilt; emitter-appended) ---
"""Pipeline reference for scband-top-ksoftmax-gate-pytorch-69037304316406 (READ-ONLY COPY).

The authoritative reference and input builder live on the scoring server;
editing this copy changes nothing except your own understanding.
"""

import jax, jax.numpy as jnp
import numpy as np

NB_EXPERTS = 8
TEMPERATURE = 1.0
T = 4096
D = 1024


def setup_inputs(seed: int = 0) -> dict:
    key = jax.random.key(seed)
    k1, k2, k3, k4 = jax.random.split(key, 4)
    # h is a list of per-expert outputs [T, D]; harness supplies it stacked as [E, T, D]
    h = jax.random.normal(k1, (NB_EXPERTS, T, D), dtype=jnp.float32)
    x = jax.random.normal(k2, (T, D), dtype=jnp.float32)
    permutation_weights = jax.random.normal(k3, (NB_EXPERTS, NB_EXPERTS), dtype=jnp.float32)
    # Parameters (xavier_uniform on [E, 1] per reset_parameters; bias zeros)
    limit = float(np.sqrt(6.0 / (NB_EXPERTS + 1)))
    expert_weights = jax.random.uniform(k4, (NB_EXPERTS, 1), dtype=jnp.float32, minval=-limit, maxval=limit)
    bias = jnp.zeros((NB_EXPERTS,), dtype=jnp.float32)
    return {"h": h, "x": x, "permutation_weights": permutation_weights,
            "expert_weights": expert_weights, "bias": bias}


def reference(h, x, permutation_weights, expert_weights, bias):
    E = NB_EXPERTS
    # torch.stack(h, dim=2): list of [T, D] -> [T, D, E]
    hs = jnp.transpose(h, (1, 2, 0))
    # temperature scheduler: iterations incremented to 1 on this call
    iterations = 1.0
    scheduler = 1.0 - np.exp(-iterations / TEMPERATURE)
    k_eff = int(E - np.floor(scheduler * E))
    k_eff = max(k_eff, 1)
    # gate logits from expert weights (+ bias)
    logits = expert_weights[:, 0] + bias  # [E]
    _, top_idx = jax.lax.top_k(logits, k_eff)
    mask = jnp.zeros((E,), dtype=jnp.float32).at[top_idx].set(1.0)
    masked_logits = jnp.where(mask > 0, logits, jnp.full_like(logits, -1e9))
    probs = jax.nn.softmax(masked_logits)  # [E]
    probs = permutation_weights @ probs  # apply permutation weights [E]
    # weighted combination of expert outputs: [T, D, E] x [E] -> [T, D]
    y = jnp.einsum("tde,e->td", hs, probs)
    return y

if __name__ == "__main__":
    import jax
    _d = setup_inputs()
    print(jax.jit(kernel)(*tuple(_d.values())))

</pallas_src>

<mosaic_0001>
#map = affine_map<(d0, d1) -> (0, 0)>
#map1 = affine_map<(d0, d1) -> (0)>
module attributes {stable_mosaic.version = 14 : i64} {
  func.func @_gate_body(%arg0: i32, %arg1: i32, %arg2: memref<10x16xf32, #tpu.memory_space<hbm>>, %arg3: memref<16xf32, #tpu.memory_space<hbm>>, %arg4: memref<10x16xf32, #tpu.memory_space<vmem>>, %arg5: memref<16xf32, #tpu.memory_space<vmem>>, %arg6: memref<!tpu.dma_semaphore, #tpu.memory_space<semaphore_mem>>) attributes {dimension_semantics = [#tpu.dimension_semantics<core_parallel>, #tpu.dimension_semantics<subcore_parallel>], iteration_bounds = array<i64: 2, 16>, scalar_prefetch = 0 : i64, scratch_operands = 3 : i64, tpu.core_type = #tpu.core_type<sc_vector_subcore>, window_params = [{transform_indices = #map}, {transform_indices = #map1}]} {
    %mul3A = arith.constant 2 : i32
    %mul3A_0 = arith.muli %arg1, %mul3A : i32
    %add3A = arith.addi %mul3A_0, %arg0 : i32
    %eq3A = arith.constant 0 : i32
    %eq3A_1 = arith.cmpi eq, %add3A, %eq3A : i32
    %convert_element_type3A = arith.extui %eq3A_1 : i1 to i32
    %cond3A = arith.constant 0 : i32
    %cond3A_2 = arith.cmpi ne, %convert_element_type3A, %cond3A : i32
    scf.if %cond3A_2 {
      tpu.enqueue_dma source(%arg2 : memref<10x16xf32, #tpu.memory_space<hbm>>) target(%arg4 : memref<10x16xf32, #tpu.memory_space<vmem>>) target_semaphore(%arg6 : memref<!tpu.dma_semaphore, #tpu.memory_space<semaphore_mem>>)
      tpu.wait_dma2 semaphore(%arg6 : memref<!tpu.dma_semaphore, #tpu.memory_space<semaphore_mem>>) src(%arg2 : memref<10x16xf32, #tpu.memory_space<hbm>>) dst(%arg4 : memref<10x16xf32, #tpu.memory_space<vmem>>)
      %iota3A = tpu.iota {dimensions = array<i32: 0>} : vector<16xi32>
      %and3A = arith.constant 7 : i32
      %and3A_3 = vector.broadcast %and3A : i32 to vector<16xi32>
      %and3A_4 = arith.andi %iota3A, %and3A_3 : vector<16xi32>
      %get3A = arith.constant 8 : i32
      %get3A_5 = arith.index_cast %get3A : i32 to index
      %get3A_6 = arith.constant 0 : index
      %get3A_7 = tpu.vector_load %arg4[%get3A_5, %get3A_6] {strides = array<i32>} : memref<10x16xf32, #tpu.memory_space<vmem>>, vector<1x16xf32>,
      %get3A_8 = vector.shape_cast %get3A_7 : vector<1x16xf32> to vector<16xf32>
      %get3A_9 = arith.constant 9 : i32
      %get3A_10 = arith.index_cast %get3A_9 : i32 to index
      %get3A_11 = arith.constant 0 : index
      %get3A_12 = tpu.vector_load %arg4[%get3A_10, %get3A_11] {strides = array<i32>} : memref<10x16xf32, #tpu.memory_space<vmem>>, vector<1x16xf32>,
      %get3A_13 = vector.shape_cast %get3A_12 : vector<1x16xf32> to vector<16xf32>
      %add3A_14 = arith.addf %get3A_8, %get3A_13 : vector<16xf32>
      %broadcast_in_dim3A = arith.constant 0 : i32
      %broadcast_in_dim3A_15 = vector.broadcast %broadcast_in_dim3A : i32 to vector<16xi32>
      %slice3A = vector.extract_strided_slice %add3A_14 {offsets = [0], sizes = [1], strides = [1]} : vector<16xf32> to vector<1xf32>
      %squeeze3A = vector.extract %slice3A[0] : f32 from vector<1xf32>
      %gt3A = vector.broadcast %squeeze3A : f32 to vector<16xf32>
      %gt3A_16 = arith.cmpf ogt, %gt3A, %add3A_14 : vector<16xf32>
      %eq3A_17 = vector.broadcast %squeeze3A : f32 to vector<16xf32>
      %eq3A_18 = arith.cmpf oeq, %eq3A_17, %add3A_14 : vector<16xf32>
      %gt3A_19 = arith.constant 0 : i32
      %gt3A_20 = vector.broadcast %gt3A_19 : i32 to vector<16xi32>
      %gt3A_21 = arith.cmpi sgt, %and3A_4, %gt3A_20 : vector<16xi32>
      %and3A_22 = arith.andi %eq3A_18, %gt3A_21 : vector<16xi1>
      %or3A = arith.ori %gt3A_16, %and3A_22 : vector<16xi1>
      %jit3A = arith.constant 1 : i32
      %jit3A_23 = arith.constant 0 : i32
      %broadcast_in_dim3A_24 = vector.broadcast %jit3A : i32 to vector<16xi32>
      %broadcast_in_dim3A_25 = vector.broadcast %jit3A_23 : i32 to vector<16xi32>
      %select_n3A = arith.select %or3A, %broadcast_in_dim3A_24, %broadcast_in_dim3A_25 : vector<16xi1>, vector<16xi32>
      %add3A_26 = arith.addi %broadcast_in_dim3A_15, %select_n3A : vector<16xi32>
      %slice3A_27 = vector.extract_strided_slice %add3A_14 {offsets = [1], sizes = [1], strides = [1]} : vector<16xf32> to vector<1xf32>
      %squeeze3A_28 = vector.extract %slice3A_27[0] : f32 from vector<1xf32>
      %gt3A_29 = vector.broadcast %squeeze3A_28 : f32 to vector<16xf32>
      %gt3A_30 = arith.cmpf ogt, %gt3A_29, %add3A_14 : vector<16xf32>
      %eq3A_31 = vector.broadcast %squeeze3A_28 : f32 to vector<16xf32>
      %eq3A_32 = arith.cmpf oeq, %eq3A_31, %add3A_14 : vector<16xf32>
      %gt3A_33 = arith.constant 1 : i32
      %gt3A_34 = vector.broadcast %gt3A_33 : i32 to vector<16xi32>
      %gt3A_35 = arith.cmpi sgt, %and3A_4, %gt3A_34 : vector<16xi32>
      %and3A_36 = arith.andi %eq3A_32, %gt3A_35 : vector<16xi1>
      %or3A_37 = arith.ori %gt3A_30, %and3A_36 : vector<16xi1>
      %jit3A_38 = arith.constant 1 : i32
      %jit3A_39 = arith.constant 0 : i32
      %broadcast_in_dim3A_40 = vector.broadcast %jit3A_38 : i32 to vector<16xi32>
      %broadcast_in_dim3A_41 = vector.broadcast %jit3A_39 : i32 to vector<16xi32>
      %select_n3A_42 = arith.select %or3A_37, %broadcast_in_dim3A_40, %broadcast_in_dim3A_41 : vector<16xi1>, vector<16xi32>
      %add3A_43 = arith.addi %add3A_26, %select_n3A_42 : vector<16xi32>
      %slice3A_44 = vector.extract_strided_slice %add3A_14 {offsets = [2], sizes = [1], strides = [1]} : vector<16xf32> to vector<1xf32>
      %squeeze3A_45 = vector.extract %slice3A_44[0] : f32 from vector<1xf32>
      %gt3A_46 = vector.broadcast %squeeze3A_45 : f32 to vector<16xf32>
      %gt3A_47 = arith.cmpf ogt, %gt3A_46, %add3A_14 : vector<16xf32>
      %eq3A_48 = vector.broadcast %squeeze3A_45 : f32 to vector<16xf32>
      %eq3A_49 = arith.cmpf oeq, %eq3A_48, %add3A_14 : vector<16xf32>
      %gt3A_50 = arith.constant 2 : i32
      %gt3A_51 = vector.broadcast %gt3A_50 : i32 to vector<16xi32>
      %gt3A_52 = arith.cmpi sgt, %and3A_4, %gt3A_51 : vector<16xi32>
      %and3A_53 = arith.andi %eq3A_49, %gt3A_52 : vector<16xi1>
      %or3A_54 = arith.ori %gt3A_47, %and3A_53 : vector<16xi1>
      %jit3A_55 = arith.constant 1 : i32
      %jit3A_56 = arith.constant 0 : i32
      %broadcast_in_dim3A_57 = vector.broadcast %jit3A_55 : i32 to vector<16xi32>
      %broadcast_in_dim3A_58 = vector.broadcast %jit3A_56 : i32 to vector<16xi32>
      %select_n3A_59 = arith.select %or3A_54, %broadcast_in_dim3A_57, %broadcast_in_dim3A_58 : vector<16xi1>, vector<16xi32>
      %add3A_60 = arith.addi %add3A_43, %select_n3A_59 : vector<16xi32>
      %slice3A_61 = vector.extract_strided_slice %add3A_14 {offsets = [3], sizes = [1], strides = [1]} : vector<16xf32> to vector<1xf32>
      %squeeze3A_62 = vector.extract %slice3A_61[0] : f32 from vector<1xf32>
      %gt3A_63 = vector.broadcast %squeeze3A_62 : f32 to vector<16xf32>
      %gt3A_64 = arith.cmpf ogt, %gt3A_63, %add3A_14 : vector<16xf32>
      %eq3A_65 = vector.broadcast %squeeze3A_62 : f32 to vector<16xf32>
      %eq3A_66 = arith.cmpf oeq, %eq3A_65, %add3A_14 : vector<16xf32>
      %gt3A_67 = arith.constant 3 : i32
      %gt3A_68 = vector.broadcast %gt3A_67 : i32 to vector<16xi32>
      %gt3A_69 = arith.cmpi sgt, %and3A_4, %gt3A_68 : vector<16xi32>
      %and3A_70 = arith.andi %eq3A_66, %gt3A_69 : vector<16xi1>
      %or3A_71 = arith.ori %gt3A_64, %and3A_70 : vector<16xi1>
      %jit3A_72 = arith.constant 1 : i32
      %jit3A_73 = arith.constant 0 : i32
      %broadcast_in_dim3A_74 = vector.broadcast %jit3A_72 : i32 to vector<16xi32>
      %broadcast_in_dim3A_75 = vector.broadcast %jit3A_73 : i32 to vector<16xi32>
      %select_n3A_76 = arith.select %or3A_71, %broadcast_in_dim3A_74, %broadcast_in_dim3A_75 : vector<16xi1>, vector<16xi32>
      %add3A_77 = arith.addi %add3A_60, %select_n3A_76 : vector<16xi32>
      %slice3A_78 = vector.extract_strided_slice %add3A_14 {offsets = [4], sizes = [1], strides = [1]} : vector<16xf32> to vector<1xf32>
      %squeeze3A_79 = vector.extract %slice3A_78[0] : f32 from vector<1xf32>
      %gt3A_80 = vector.broadcast %squeeze3A_79 : f32 to vector<16xf32>
      %gt3A_81 = arith.cmpf ogt, %gt3A_80, %add3A_14 : vector<16xf32>
      %eq3A_82 = vector.broadcast %squeeze3A_79 : f32 to vector<16xf32>
      %eq3A_83 = arith.cmpf oeq, %eq3A_82, %add3A_14 : vector<16xf32>
      %gt3A_84 = arith.constant 4 : i32
      %gt3A_85 = vector.broadcast %gt3A_84 : i32 to vector<16xi32>
      %gt3A_86 = arith.cmpi sgt, %and3A_4, %gt3A_85 : vector<16xi32>
      %and3A_87 = arith.andi %eq3A_83, %gt3A_86 : vector<16xi1>
      %or3A_88 = arith.ori %gt3A_81, %and3A_87 : vector<16xi1>
      %jit3A_89 = arith.constant 1 : i32
      %jit3A_90 = arith.constant 0 : i32
      %broadcast_in_dim3A_91 = vector.broadcast %jit3A_89 : i32 to vector<16xi32>
      %broadcast_in_dim3A_92 = vector.broadcast %jit3A_90 : i32 to vector<16xi32>
      %select_n3A_93 = arith.select %or3A_88, %broadcast_in_dim3A_91, %broadcast_in_dim3A_92 : vector<16xi1>, vector<16xi32>
      %add3A_94 = arith.addi %add3A_77, %select_n3A_93 : vector<16xi32>
      %slice3A_95 = vector.extract_strided_slice %add3A_14 {offsets = [5], sizes = [1], strides = [1]} : vector<16xf32> to vector<1xf32>
      %squeeze3A_96 = vector.extract %slice3A_95[0] : f32 from vector<1xf32>
      %gt3A_97 = vector.broadcast %squeeze3A_96 : f32 to vector<16xf32>
      %gt3A_98 = arith.cmpf ogt, %gt3A_97, %add3A_14 : vector<16xf32>
      %eq3A_99 = vector.broadcast %squeeze3A_96 : f32 to vector<16xf32>
      %eq3A_100 = arith.cmpf oeq, %eq3A_99, %add3A_14 : vector<16xf32>
      %gt3A_101 = arith.constant 5 : i32
      %gt3A_102 = vector.broadcast %gt3A_101 : i32 to vector<16xi32>
      %gt3A_103 = arith.cmpi sgt, %and3A_4, %gt3A_102 : vector<16xi32>
      %and3A_104 = arith.andi %eq3A_100, %gt3A_103 : vector<16xi1>
      %or3A_105 = arith.ori %gt3A_98, %and3A_104 : vector<16xi1>
      %jit3A_106 = arith.constant 1 : i32
      %jit3A_107 = arith.constant 0 : i32
      %broadcast_in_dim3A_108 = vector.broadcast %jit3A_106 : i32 to vector<16xi32>
      %broadcast_in_dim3A_109 = vector.broadcast %jit3A_107 : i32 to vector<16xi32>
      %select_n3A_110 = arith.select %or3A_105, %broadcast_in_dim3A_108, %broadcast_in_dim3A_109 : vector<16xi1>, vector<16xi32>
      %add3A_111 = arith.addi %add3A_94, %select_n3A_110 : vector<16xi32>
      %slice3A_112 = vector.extract_strided_slice %add3A_14 {offsets = [6], sizes = [1], strides = [1]} : vector<16xf32> to vector<1xf32>
      %squeeze3A_113 = vector.extract %slice3A_112[0] : f32 from vector<1xf32>
      %gt3A_114 = vector.broadcast %squeeze3A_113 : f32 to vector<16xf32>
      %gt3A_115 = arith.cmpf ogt, %gt3A_114, %add3A_14 : vector<16xf32>
      %eq3A_116 = vector.broadcast %squeeze3A_113 : f32 to vector<16xf32>
      %eq3A_117 = arith.cmpf oeq, %eq3A_116, %add3A_14 : vector<16xf32>
      %gt3A_118 = arith.constant 6 : i32
      %gt3A_119 = vector.broadcast %gt3A_118 : i32 to vector<16xi32>
      %gt3A_120 = arith.cmpi sgt, %and3A_4, %gt3A_119 : vector<16xi32>
      %and3A_121 = arith.andi %eq3A_117, %gt3A_120 : vector<16xi1>
      %or3A_122 = arith.ori %gt3A_115, %and3A_121 : vector<16xi1>
      %jit3A_123 = arith.constant 1 : i32
      %jit3A_124 = arith.constant 0 : i32
      %broadcast_in_dim3A_125 = vector.broadcast %jit3A_123 : i32 to vector<16xi32>
      %broadcast_in_dim3A_126 = vector.broadcast %jit3A_124 : i32 to vector<16xi32>
      %select_n3A_127 = arith.select %or3A_122, %broadcast_in_dim3A_125, %broadcast_in_dim3A_126 : vector<16xi1>, vector<16xi32>
      %add3A_128 = arith.addi %add3A_111, %select_n3A_127 : vector<16xi32>
      %slice3A_129 = vector.extract_strided_slice %add3A_14 {offsets = [7], sizes = [1], strides = [1]} : vector<16xf32> to vector<1xf32>
      %squeeze3A_130 = vector.extract %slice3A_129[0] : f32 from vector<1xf32>
      %gt3A_131 = vector.broadcast %squeeze3A_130 : f32 to vector<16xf32>
      %gt3A_132 = arith.cmpf ogt, %gt3A_131, %add3A_14 : vector<16xf32>
      %eq3A_133 = vector.broadcast %squeeze3A_130 : f32 to vector<16xf32>
      %eq3A_134 = arith.cmpf oeq, %eq3A_133, %add3A_14 : vector<16xf32>
      %gt3A_135 = arith.constant 7 : i32
      %gt3A_136 = vector.broadcast %gt3A_135 : i32 to vector<16xi32>
      %gt3A_137 = arith.cmpi sgt, %and3A_4, %gt3A_136 : vector<16xi32>
      %and3A_138 = arith.andi %eq3A_134, %gt3A_137 : vector<16xi1>
      %or3A_139 = arith.ori %gt3A_132, %and3A_138 : vector<16xi1>
      %jit3A_140 = arith.constant 1 : i32
      %jit3A_141 = arith.constant 0 : i32
      %broadcast_in_dim3A_142 = vector.broadcast %jit3A_140 : i32 to vector<16xi32>
      %broadcast_in_dim3A_143 = vector.broadcast %jit3A_141 : i32 to vector<16xi32>
      %select_n3A_144 = arith.select %or3A_139, %broadcast_in_dim3A_142, %broadcast_in_dim3A_143 : vector<16xi1>, vector<16xi32>
      %add3A_145 = arith.addi %add3A_128, %select_n3A_144 : vector<16xi32>
      %lt3A = arith.constant 3 : i32
      %lt3A_146 = vector.broadcast %lt3A : i32 to vector<16xi32>
      %lt3A_147 = arith.cmpi slt, %add3A_145, %lt3A_146 : vector<16xi32>
      %jit3A_148 = arith.constant -1.000000e+09 : f32
      %broadcast_in_dim3A_149 = vector.broadcast %jit3A_148 : f32 to vector<16xf32>
      %select_n3A_150 = arith.select %lt3A_147, %add3A_14, %broadcast_in_dim3A_149 : vector<16xi1>, vector<16xf32>
      %slice3A_151 = vector.extract_strided_slice %select_n3A_150 {offsets = [0], sizes = [1], strides = [1]} : vector<16xf32> to vector<1xf32>
      %squeeze3A_152 = vector.extract %slice3A_151[0] : f32 from vector<1xf32>
      %slice3A_153 = vector.extract_strided_slice %select_n3A_150 {offsets = [1], sizes = [1], strides = [1]} : vector<16xf32> to vector<1xf32>
      %squeeze3A_154 = vector.extract %slice3A_153[0] : f32 from vector<1xf32>
      %max3A = arith.maximumf %squeeze3A_152, %squeeze3A_154 : f32
      %slice3A_155 = vector.extract_strided_slice %select_n3A_150 {offsets = [2], sizes = [1], strides = [1]} : vector<16xf32> to vector<1xf32>
      %squeeze3A_156 = vector.extract %slice3A_155[0] : f32 from vector<1xf32>
      %max3A_157 = arith.maximumf %max3A, %squeeze3A_156 : f32
      %slice3A_158 = vector.extract_strided_slice %select_n3A_150 {offsets = [3], sizes = [1], strides = [1]} : vector<16xf32> to vector<1xf32>
      %squeeze3A_159 = vector.extract %slice3A_158[0] : f32 from vector<1xf32>
      %max3A_160 = arith.maximumf %max3A_157, %squeeze3A_159 : f32
      %slice3A_161 = vector.extract_strided_slice %select_n3A_150 {offsets = [4], sizes = [1], strides = [1]} : vector<16xf32> to vector<1xf32>
      %squeeze3A_162 = vector.extract %slice3A_161[0] : f32 from vector<1xf32>
      %max3A_163 = arith.maximumf %max3A_160, %squeeze3A_162 : f32
      %slice3A_164 = vector.extract_strided_slice %select_n3A_150 {offsets = [5], sizes = [1], strides = [1]} : vector<16xf32> to vector<1xf32>
      %squeeze3A_165 = vector.extract %slice3A_164[0] : f32 from vector<1xf32>
      %max3A_166 = arith.maximumf %max3A_163, %squeeze3A_165 : f32
      %slice3A_167 = vector.extract_strided_slice %select_n3A_150 {offsets = [6], sizes = [1], strides = [1]} : vector<16xf32> to vector<1xf32>
      %squeeze3A_168 = vector.extract %slice3A_167[0] : f32 from vector<1xf32>
      %max3A_169 = arith.maximumf %max3A_166, %squeeze3A_168 : f32
      %slice3A_170 = vector.extract_strided_slice %select_n3A_150 {offsets = [7], sizes = [1], strides = [1]} : vector<16xf32> to vector<1xf32>
      %squeeze3A_171 = vector.extract %slice3A_170[0] : f32 from vector<1xf32>
      %max3A_172 = arith.maximumf %max3A_169, %squeeze3A_171 : f32
      %sub3A = vector.broadcast %max3A_172 : f32 to vector<16xf32>
      %sub3A_173 = arith.subf %select_n3A_150, %sub3A : vector<16xf32>
      %exp3A = math.exp %sub3A_173 : vector<16xf32>
      %slice3A_174 = vector.extract_strided_slice %exp3A {offsets = [0], sizes = [1], strides = [1]} : vector<16xf32> to vector<1xf32>
      %squeeze3A_175 = vector.extract %slice3A_174[0] : f32 from vector<1xf32>
      %slice3A_176 = vector.extract_strided_slice %exp3A {offsets = [1], sizes = [1], strides = [1]} : vector<16xf32> to vector<1xf32>
      %squeeze3A_177 = vector.extract %slice3A_176[0] : f32 from vector<1xf32>
      %slice3A_178 = vector.extract_strided_slice %exp3A {offsets = [2], sizes = [1], strides = [1]} : vector<16xf32> to vector<1xf32>
      %squeeze3A_179 = vector.extract %slice3A_178[0] : f32 from vector<1xf32>
      %slice3A_180 = vector.extract_strided_slice %exp3A {offsets = [3], sizes = [1], strides = [1]} : vector<16xf32> to vector<1xf32>
      %squeeze3A_181 = vector.extract %slice3A_180[0] : f32 from vector<1xf32>
      %slice3A_182 = vector.extract_strided_slice %exp3A {offsets = [4], sizes = [1], strides = [1]} : vector<16xf32> to vector<1xf32>
      %squeeze3A_183 = vector.extract %slice3A_182[0] : f32 from vector<1xf32>
      %slice3A_184 = vector.extract_strided_slice %exp3A {offsets = [5], sizes = [1], strides = [1]} : vector<16xf32> to vector<1xf32>
      %squeeze3A_185 = vector.extract %slice3A_184[0] : f32 from vector<1xf32>
      %slice3A_186 = vector.extract_strided_slice %exp3A {offsets = [6], sizes = [1], strides = [1]} : vector<16xf32> to vector<1xf32>
      %squeeze3A_187 = vector.extract %slice3A_186[0] : f32 from vector<1xf32>
      %slice3A_188 = vector.extract_strided_slice %exp3A {offsets = [7], sizes = [1], strides = [1]} : vector<16xf32> to vector<1xf32>
      %squeeze3A_189 = vector.extract %slice3A_188[0] : f32 from vector<1xf32>
      %add3A_190 = arith.addf %squeeze3A_175, %squeeze3A_177 : f32
      %add3A_191 = arith.addf %add3A_190, %squeeze3A_179 : f32
      %add3A_192 = arith.addf %add3A_191, %squeeze3A_181 : f32
      %add3A_193 = arith.addf %add3A_192, %squeeze3A_183 : f32
      %add3A_194 = arith.addf %add3A_193, %squeeze3A_185 : f32
      %add3A_195 = arith.addf %add3A_194, %squeeze3A_187 : f32
      %add3A_196 = arith.addf %add3A_195, %squeeze3A_189 : f32
      %get3A_197 = arith.constant 0 : i32
      %get3A_198 = arith.index_cast %get3A_197 : i32 to index
      %get3A_199 = arith.constant 0 : index
      %get3A_200 = tpu.vector_load %arg4[%get3A_198, %get3A_199] {strides = array<i32>} : memref<10x16xf32, #tpu.memory_space<vmem>>, vector<1x16xf32>,
      %get3A_201 = vector.shape_cast %get3A_200 : vector<1x16xf32> to vector<16xf32>
      %mul3A_202 = vector.broadcast %squeeze3A_175 : f32 to vector<16xf32>
      %mul3A_203 = arith.mulf %mul3A_202, %get3A_201 : vector<16xf32>
      %get3A_204 = arith.constant 1 : i32
      %get3A_205 = arith.index_cast %get3A_204 : i32 to index
      %get3A_206 = arith.constant 0 : index
      %get3A_207 = tpu.vector_load %arg4[%get3A_205, %get3A_206] {strides = array<i32>} : memref<10x16xf32, #tpu.memory_space<vmem>>, vector<1x16xf32>,
      %get3A_208 = vector.shape_cast %get3A_207 : vector<1x16xf32> to vector<16xf32>
      %mul3A_209 = vector.broadcast %squeeze3A_177 : f32 to vector<16xf32>
      %mul3A_210 = arith.mulf %mul3A_209, %get3A_208 : vector<16xf32>
      %add3A_211 = arith.addf %mul3A_203, %mul3A_210 : vector<16xf32>
      %get3A_212 = arith.constant 2 : i32
      %get3A_213 = arith.index_cast %get3A_212 : i32 to index
      %get3A_214 = arith.constant 0 : index
      %get3A_215 = tpu.vector_load %arg4[%get3A_213, %get3A_214] {strides = array<i32>} : memref<10x16xf32, #tpu.memory_space<vmem>>, vector<1x16xf32>,
      %get3A_216 = vector.shape_cast %get3A_215 : vector<1x16xf32> to vector<16xf32>
      %mul3A_217 = vector.broadcast %squeeze3A_179 : f32 to vector<16xf32>
      %mul3A_218 = arith.mulf %mul3A_217, %get3A_216 : vector<16xf32>
      %add3A_219 = arith.addf %add3A_211, %mul3A_218 : vector<16xf32>
      %get3A_220 = arith.constant 3 : i32
      %get3A_221 = arith.index_cast %get3A_220 : i32 to index
      %get3A_222 = arith.constant 0 : index
      %get3A_223 = tpu.vector_load %arg4[%get3A_221, %get3A_222] {strides = array<i32>} : memref<10x16xf32, #tpu.memory_space<vmem>>, vector<1x16xf32>,
      %get3A_224 = vector.shape_cast %get3A_223 : vector<1x16xf32> to vector<16xf32>
      %mul3A_225 = vector.broadcast %squeeze3A_181 : f32 to vector<16xf32>
      %mul3A_226 = arith.mulf %mul3A_225, %get3A_224 : vector<16xf32>
      %add3A_227 = arith.addf %add3A_219, %mul3A_226 : vector<16xf32>
      %get3A_228 = arith.constant 4 : i32
      %get3A_229 = arith.index_cast %get3A_228 : i32 to index
      %get3A_230 = arith.constant 0 : index
      %get3A_231 = tpu.vector_load %arg4[%get3A_229, %get3A_230] {strides = array<i32>} : memref<10x16xf32, #tpu.memory_space<vmem>>, vector<1x16xf32>,
      %get3A_232 = vector.shape_cast %get3A_231 : vector<1x16xf32> to vector<16xf32>
      %mul3A_233 = vector.broadcast %squeeze3A_183 : f32 to vector<16xf32>
      %mul3A_234 = arith.mulf %mul3A_233, %get3A_232 : vector<16xf32>
      %add3A_235 = arith.addf %add3A_227, %mul3A_234 : vector<16xf32>
      %get3A_236 = arith.constant 5 : i32
      %get3A_237 = arith.index_cast %get3A_236 : i32 to index
      %get3A_238 = arith.constant 0 : index
      %get3A_239 = tpu.vector_load %arg4[%get3A_237, %get3A_238] {strides = array<i32>} : memref<10x16xf32, #tpu.memory_space<vmem>>, vector<1x16xf32>,
      %get3A_240 = vector.shape_cast %get3A_239 : vector<1x16xf32> to vector<16xf32>
      %mul3A_241 = vector.broadcast %squeeze3A_185 : f32 to vector<16xf32>
      %mul3A_242 = arith.mulf %mul3A_241, %get3A_240 : vector<16xf32>
      %add3A_243 = arith.addf %add3A_235, %mul3A_242 : vector<16xf32>
      %get3A_244 = arith.constant 6 : i32
      %get3A_245 = arith.index_cast %get3A_244 : i32 to index
      %get3A_246 = arith.constant 0 : index
      %get3A_247 = tpu.vector_load %arg4[%get3A_245, %get3A_246] {strides = array<i32>} : memref<10x16xf32, #tpu.memory_space<vmem>>, vector<1x16xf32>,
      %get3A_248 = vector.shape_cast %get3A_247 : vector<1x16xf32> to vector<16xf32>
      %mul3A_249 = vector.broadcast %squeeze3A_187 : f32 to vector<16xf32>
      %mul3A_250 = arith.mulf %mul3A_249, %get3A_248 : vector<16xf32>
      %add3A_251 = arith.addf %add3A_243, %mul3A_250 : vector<16xf32>
      %get3A_252 = arith.constant 7 : i32
      %get3A_253 = arith.index_cast %get3A_252 : i32 to index
      %get3A_254 = arith.constant 0 : index
      %get3A_255 = tpu.vector_load %arg4[%get3A_253, %get3A_254] {strides = array<i32>} : memref<10x16xf32, #tpu.memory_space<vmem>>, vector<1x16xf32>,
      %get3A_256 = vector.shape_cast %get3A_255 : vector<1x16xf32> to vector<16xf32>
      %mul3A_257 = vector.broadcast %squeeze3A_189 : f32 to vector<16xf32>
      %mul3A_258 = arith.mulf %mul3A_257, %get3A_256 : vector<16xf32>
      %add3A_259 = arith.addf %add3A_251, %mul3A_258 : vector<16xf32>
      %div3A = vector.broadcast %add3A_196 : f32 to vector<16xf32>
      %div3A_260 = arith.divf %add3A_259, %div3A : vector<16xf32>
      %swap3A = arith.constant 0 : index
      %swap3A_261 = tpu.vector_load %arg5[%swap3A] {strides = array<i32>} : memref<16xf32, #tpu.memory_space<vmem>>, vector<16xf32>,
      %swap3A_262 = vector.shape_cast %swap3A_261 : vector<16xf32> to vector<16xf32>
      %swap3A_263 = vector.shape_cast %div3A_260 : vector<16xf32> to vector<16xf32>
      tpu.vector_store %arg5[%swap3A], %swap3A_263 {strides = array<i32>} : memref<16xf32, #tpu.memory_space<vmem>>, vector<16xf32>,
      "tpu.region"() ({
        %run_scoped3A = tpu.sem_alloc : memref<!tpu.dma_semaphore, #tpu.memory_space<semaphore_mem>>
        tpu.enqueue_dma source(%arg5 : memref<16xf32, #tpu.memory_space<vmem>>) target(%arg3 : memref<16xf32, #tpu.memory_space<hbm>>) target_semaphore(%run_scoped3A : memref<!tpu.dma_semaphore, #tpu.memory_space<semaphore_mem>>)
        tpu.wait_dma2 semaphore(%run_scoped3A : memref<!tpu.dma_semaphore, #tpu.memory_space<semaphore_mem>>) src(%arg5 : memref<16xf32, #tpu.memory_space<vmem>>) dst(%arg3 : memref<16xf32, #tpu.memory_space<hbm>>)
        tpu.yield
      }) : () -> ()
    } else {
    }
    return
  }
}

</mosaic_0001>

<sc_bundles>
// kernel: _gate.3.cloned.1.call-start
scs
__scs_entry_jumppad:
0x0: {  	(pc) =	sbr.rel $0x88, $3  }
0x1: {  	(tag) =	ssettag $0x0;
	lr =	simm.s32 $0x1  }
0x2: {  	[smem:$0x3FA0] =	sst lr;
	_ =	strace $0xD0000000  }
0x3: {  	_ = 	snop  }
0x4: {  	_ = 	snop  }
0x5: {  	_ = 	snop  }
0x6: {  	_ = 	snop  }
0x7: {  	_ = 	snop  }
__scs_overlays_trampoline_lowered:
0x8: {  	[smem:$0x3FAF] =	sst s0  }
0x9: {  	[smem:$0x3FB0] =	sst s1  }
0xa: {  	[smem:$0x3FB1] =	sst s2  }
0xb: {  	[smem:$0x3FB2] =	sst s3  }
0xc: {  	[smem:$0x3FB3] =	sst s4  }
0xd: {  	[smem:$0x3FB4] =	sst s5  }
0xe: {  	[smem:$0x3FB5] =	sst s6  }
0xf: {  	[smem:$0x3FB6] =	sst s7  }
0x10: {  	[smem:$0x3FB7] =	sst s8  }
0x11: {  	[smem:$0x3FB8] =	sst s9;
	s0 =	simm.s32 @!p0 $0x0  }
0x12: {  	s1 =	sld [smem:$0x3F9E];
	s0 =	simm.s32 @p0 $0x1  }
0x13: {  	[smem:$0x3FB9] =	sst s0;
	s0 =	simm.s32 @!p1 $0x0  }
0x14: {  	s2 =	sld [smem:$0x3F9D];
	s0 =	simm.s32 @p1 $0x1  }
0x15: {  	[smem:$0x3FBA] =	sst s0;
	s0 =	simm.s32 @!p2 $0x0  }
0x16: {  	s3 =	sld [smem:$0x3FDB];
	s0 =	simm.s32 @p2 $0x1  }
0x17: {  	s4 =	simm.s32 $0x1BF5;
	[smem:$0x3FBC] =	sst s0  }
0x18: {  	s0 =	sld [smem:$0x3F9F];
	_ =	swait.ge [sflag:s4], $0x0  }
0x19: {  	s7 =	sld [smem:$0x3FA0]  }
0x1a: {  	s8 =	sadd.s32 $0xFFFFE003, lr  }
0x1b: {  	s9 =	sadd.s32 $0xFFFFFEF7, lr;
	s5 =	simm.s32 $0xFFFFFFFF;
	p2 =	slt.u32 s8, $0xFFFFF086  }
0x1c: {  	p1 =	slt.u32 s9, $0xF7A;
	s5 =	simm.s32 @!p2 $0x0  }
0x1d: {  	s5 =	simm.s32 @p1 $0x1;
	p0 =	seq.s32 s7, s2  }
0x1e: {  	s7 =	smul.u32 @!p0 $0xF7A, s2;
	p2 =	seq.s32 @!p0 s5, $0x0  }
0x1f: {  	s9 =	smul.u32 $0xF7A, s1;
	s8 =	simm.s32 @!p0 $0x1BF5;
	p2 =	por !p2, p0  }
0x20: {  	[sflag:s8] =	ssyncset.s32 @!p0 $0xFFFFF086;
	s6 =	sadd.s32 @!p0 s3, s7;
	s7 =	simm.s32 @!p0 $0x108  }
0x21: {  	s3 =	sadd.s32 s3, s9;
	s6 =	sadd.s32 @!p0 $0x88, s6;
	s7 =	simm.s32 @p2 $0x1082  }
0x22: {  	[simem:s7], [sflag:s8] =	dma.local @!p0 [hbm:s6], $0xF7A  }
0x23: {  	s9 =	sor.u32 $0xD0000000, s2;
	s6 =	simm.s32 $0x108;
	_ =	swait.ge @!p0 [sflag:s8], $0x0  }
0x24: {  	s3 =	sadd.s32 $0x88, s3;
	s6 =	simm.s32 @!p1 $0x1082;
	[sflag:s4] =	ssyncset.s32 $0xFFFFF086  }
0x25: {  	[simem:s6], [sflag:s4] =	dma.local [hbm:s3], $0xF7A  }
0x26: {  	[smem:$0x3FA0] =	sst s1;
	(tag) =	ssettag s2;
	_ =	strace s9  }
0x27: {  	s1 =	sld [smem:$0x3FB0]  }
0x28: {  	s2 =	sld [smem:$0x3FB1]  }
0x29: {  	s4 =	sld [smem:$0x3FB3]  }
0x2a: {  	p0 =	seq.s32 s5, $0x0;
	s5 =	sld [smem:$0x3FB4]  }
0x2b: {  	s6 =	sld [smem:$0x3FB5]  }
0x2c: {  	s7 =	sld [smem:$0x3FB6]  }
0x2d: {  	s3 =	simm.s32 $0x108;
	s8 =	sld [smem:$0x3FB7]  }
0x2e: {  	s3 =	simm.s32 @!p0 $0x1082;
	s9 =	sld [smem:$0x3FB8]  }
0x2f: {  	lr =	sadd.s32 s0, s3;
	s0 =	sld [smem:$0x3FAF]  }
0x30: {  	s3 =	sld [smem:$0x3FB2]  }
0x31: {  	[smem:$0x3FBB] =	sst s10  }
0x32: {  	s10 =	sld [smem:$0x3FB9];
	_ =	sdelay $0x3  }
0x33: {  	p0 =	seq.s32 s10, $0x1;
	s10 =	sld [smem:$0x3FBB];
	_ =	sdelay $0x3  }
0x34: {  	[smem:$0x3FBB] =	sst s10  }
0x35: {  	s10 =	sld [smem:$0x3FBA];
	_ =	sdelay $0x3  }
0x36: {  	p1 =	seq.s32 s10, $0x1;
	s10 =	sld [smem:$0x3FBB];
	_ =	sdelay $0x3  }
0x37: {  	[smem:$0x3FBB] =	sst s10  }
0x38: {  	s10 =	sld [smem:$0x3FBC]  }
0x39: {  	_ = 	snop;
	(pc) =	sbr.ind lr, $3  }
0x3a: {  	_ = 	snop  }
0x3b: {  	_ = 	snop  }
0x3c: {  	p2 =	seq.s32 s10, $0x1;
	s10 =	sld [smem:$0x3FBB]  }
0x3d: {  	_ =	shalt  }
0x3e: {  	_ =	shalt  }
0x3f: {  	_ =	shalt  }
0x40: {  	_ =	shalt  }
0x41: {  	_ =	shalt  }
0x42: {  	_ =	shalt  }
0x43: {  	_ =	shalt  }
0x44: {  	_ =	shalt  }
0x45: {  	_ =	shalt  }
0x46: {  	_ =	shalt  }
0x47: {  	_ =	shalt  }
0x48: {  	_ =	shalt  }
0x49: {  	_ =	shalt  }
0x4a: {  	_ =	shalt  }
0x4b: {  	_ =	shalt  }
0x4c: {  	_ =	shalt  }
0x4d: {  	_ =	shalt  }
0x4e: {  	_ =	shalt  }
0x4f: {  	_ =	shalt  }
0x50: {  	_ =	shalt  }
0x51: {  	_ =	shalt  }
0x52: {  	_ =	shalt  }
0x53: {  	_ =	shalt  }
0x54: {  	_ =	shalt  }
0x55: {  	_ =	shalt  }
0x56: {  	_ =	shalt  }
0x57: {  	_ =	shalt  }
0x58: {  	_ =	shalt  }
0x59: {  	_ =	shalt  }
0x5a: {  	_ =	shalt  }
0x5b: {  	_ =	shalt  }
0x5c: {  	_ =	shalt  }
0x5d: {  	_ =	shalt  }
0x5e: {  	_ =	shalt  }
0x5f: {  	_ =	shalt  }
0x60: {  	_ =	shalt  }
0x61: {  	_ =	shalt  }
0x62: {  	_ =	shalt  }
0x63: {  	_ =	shalt  }
0x64: {  	_ =	shalt  }
0x65: {  	_ =	shalt  }
0x66: {  	_ =	shalt  }
0x67: {  	_ =	shalt  }
0x68: {  	_ =	shalt  }
0x69: {  	_ =	shalt  }
0x6a: {  	_ =	shalt  }
0x6b: {  	_ =	shalt  }
0x6c: {  	_ =	shalt  }
0x6d: {  	_ =	shalt  }
0x6e: {  	_ =	shalt  }
0x6f: {  	_ =	shalt  }
0x70: {  	_ =	shalt  }
0x71: {  	_ =	shalt  }
0x72: {  	_ =	shalt  }
0x73: {  	_ =	shalt  }
0x74: {  	_ =	shalt  }
0x75: {  	_ =	shalt  }
0x76: {  	_ =	shalt  }
0x77: {  	_ =	shalt  }
0x78: {  	_ =	shalt  }
0x79: {  	_ =	shalt  }
0x7a: {  	_ =	shalt  }
0x7b: {  	_ =	shalt  }
0x7c: {  	_ =	shalt  }
0x7d: {  	_ =	shalt  }
0x7e: {  	_ =	shalt  }
0x7f: {  	_ =	shalt  }
0x80: {  	_ =	shalt  }
0x81: {  	_ =	shalt  }
0x82: {  	_ =	shalt  }
0x83: {  	_ =	shalt  }
0x84: {  	_ =	shalt  }
0x85: {  	_ =	shalt  }
0x86: {  	_ =	shalt  }
0x87: {  	_ =	shalt  }
.Lfunc_end0:
.L_simem_size_0:
called_computation_lowered:
.L_overlay_start_0:
0x88: {  	s2 =	sld [smem:$0x3FD9]  }
0x89: {  	s3 =	sld [smem:$0x3FFE];
	_ =	sdelay $0x1  }
0x8a: {  	s1 =	srdreg.scid  }
0x8b: {  	s0 =	sand.u32 $0x1, s1  }
0x8c: {  	s18 =	sshll.u32 s0, $0xA;
	s2 =	sadd.s32 s3, s2  }
0x8d: {  	s2 =	sadd.s32 s2, s18  }
0x8e: {  	[smem:$0x3FC7] =	sst s2  }
0x8f: {  	_ = 	snop  }
0x90: {  	s2 =	sld [smem:$0x3FC9]  }
0x91: {  	s19 =	sld [smem:$0x3FD0];
	(tm) =	ssettm $0x1  }
0x92: {  	s4 =	sld [smem:$0x3FFB];
	_ =	sdelay $0x3  }
0x93: {  	_ =	strace s4  }
0x94: {  	s4 =	sld [smem:$0x3FFC];
	_ =	sdelay $0x3  }
0x95: {  	_ =	strace s4  }
0x96: {  	s4 =	sld [smem:$0x3FFD];
	_ =	sdelay $0x3  }
0x97: {  	_ =	strace s4  }
0x98: {  	_ =	strace $0x8FFFFFFF  }
0x99: {  	s20 =	sld [smem:$0x3FDB];
	_ =	sdelay $0x1  }
0x9a: {  	s5 =	simm.s32 $_scs_section_size  }
0x9b: {  	s6 =	simm.s32 $_size__tile_overlayer_lowered;
	s7 =	simm.s32 $_tile_overlayer_lowered  }
0x9c: {  	s23 =	simm.s32 $0x1BFF;
	s22 =	sshll.u32 s7, $0x1;
	s4 =	sadd.s32 s5, s20  }
0x9d: {  	s8 =	simm.s32 $0x0;
	s21 =	sshll.u32 s6, $0x1;
	s6 =	sadd.s32 s22, s4  }
0x9e: {  	[timem:s8], [sflag:s23] =	dma.local [hbm:s6], s21  }
0x9f: {  	_ =	swait.ge [sflag:s23], s21  }
0xa0: {  	s5 =	ssub.s32 $0x0, s21;
	[sflag:s23] =	ssyncset.done $0x0  }
0xa1: {  	[sflag:s23] =	ssyncadd.s32 s5;
	_ =	sdelay $0x1  }
0xa2: {  	s24 =	simm.s32 $0x1B8B  }
0xa3: {  	_ =	swait.ge [sflag:s24], $0x1  }
0xa4: {  	[sflag:s24] =	ssyncset.done $0x0  }
0xa5: {  	s25 =	simm.s32 $0x1B8E;
	[sflag:s24] =	ssyncadd.s32 $0xFFFFFFFF  }
0xa6: {  	s26 =	simm.s32 $execute0_lowered;
	[smem:$0x3FD2] =	sst s25  }
0xa7: {  	s5 =	sshll.u32 s26, $0x1;
	_ =	strace $0x80000046;
	[dreg:$0x1] =	wrdreg $0xFFFFFFFF  }
0xa8: {  	s28 =	simm.s32 $_size_execute0_lowered;
	s4 =	sadd.s32 s4, s5;
	[dreg:$0x0] =	wrdreg $0x0  }
0xa9: {  	s5 =	sshll.u32 s28, $0x1;
	[dreg:$0x2] =	wrdreg s4  }
0xaa: {  	[dreg:$0x3] =	wrdreg s5  }
0xab: {  	[dreg:$0x4] =	wrdreg $0xC0  }
0xac: {  	_ =	task [dreg:s8], $0x5FFFF  }
0xad: {  	[dreg:$0x1] =	wrdreg $0xFFFFFFFF  }
0xae: {  	[dreg:$0x0] =	wrdreg $0x60  }
0xaf: {  	[dreg:$0x2] =	wrdreg s2  }
0xb0: {  	[dreg:$0x3] =	wrdreg s19  }
0xb1: {  	[dreg:$0x4] =	wrdreg $0x9  }
0xb2: {  	_ =	task.clear_ibuf [dreg:s8], $0x5FFFF;
	_ =	strace $0x90000046  }
0xb3: {  	s29 =	simm.s32 $0x9;
	_ =	strace $0x80000048  }
0xb4: {  	_ =	swait.ge [sflag:s29], $0x1  }
0xb5: {  	[sflag:s29] =	ssyncadd.s32 $0xFFFFFFFF  }
0xb6: {  	_ =	strace $0x90000048  }
0xb7: {  	_ =	sfence  }
0xb8: {  	s30 =	sld [smem:$0x0];
	_ =	sdelay $0x2  }
0xb9: {  	s31 =	sshll.u32 s1, $0xD;
	s1 =	sshrl.u32 s1, $0x2  }
0xba: {  	s3 =	sand.u32 $0x4000, s31;
	s1 =	sadd.s32 s1, s30  }
0xbb: {  	s0 =	sor.u32 s3, s0;
	s1 =	sshll.u32 s1, $0x11  }
0xbc: {  	s0 =	sor.u32 s1, s0  }
0xbd: {  	s0 =	sadd.s32 $0x8F2B, s0  }
0xbe: {  	[sflag:s0] =	ssyncadd.remote.s32 $0x1  }
0xbf: {  	_ =	sfence.sel $0xFFFF  }
0xc0: {  	[dreg:$0x0] =	wrdreg $0xFFFFFFFF;
	(pc) =	sbr.abs _section_cstart, $3  }
0xc1: {  	[dreg:$0x1] =	wrdreg $0xFFFFFFFF  }
0xc2: {  	_ =	task.clear_ibuf [dreg:s8], $0x2FFFF;
	_ =	strace $0x9FFFFFFF  }
0xc3: {  	(tm) =	ssettm $0x7FFFFFFF  }
tec
execute0_lowered:
.L_overlay_start_1:
0x0: {  	(tag) =	ssettag $0x1  }
0x1: {  	s0 =	rddreg [dreg:$0x0];
	s1 =	srdreg.scid  }
0x2: {  	[dreg:$0x3] =	wrdreg s0;
	s5 =	sand.u32 $0x1, s1;
	s0 =	stileid.u32  }
0x3: {  	s3 =	sshll.u32 s0, $0x1;
	s4 =	ssub.s32 $0x0, s5  }
0x4: {  	p0 =	sne.s32 s3, s4  }
.Ltmp0:
0x5: {  	_ = 	snop;
	(pc) =	sbr.rel @p0 .LBB2_4-.Ltmp0, $3  }
0x6: {  	_ =	sdelay $0x1  }
0x7: {  	s2 =	rddreg [dreg:$0x1]  }
0x8: {  	s1 =	rddreg [dreg:$0x2];
	_ =	strace $0x80000047  }
0x9: {  	s6 =	rddreg [dreg:$0x3];
	s3 =	simm.s32 $0x0;
	s4 =	simm.s32 $0x1  }
0xa: {  	[tilespmem:s3], [sflag:$0x1] =	stream.linear.gather [hbm4b:s6+s3], $0x500, $0x38;
	[tilespmem:$0x880] =	vst v63  }
0xb: {  	_ =	swait.ge [sflag:s4], $0x500  }
0xc: {  	[sflag:s4] =	ssyncset.done $0x0  }
0xd: {  	[sflag:s4] =	ssyncadd.s32 $0xFFFFFB00  }
0xe: {  	v1 =	vld [tilespmem:$0x400]  }
0xf: {  	v2 =	vld [tilespmem:$0x480]  }
0x10: {  	vm0 =	vcmask $0x3F24;
	vm1 =	vcmask $0x1F04;
	v0 =	vimm.s32 $0x0  }
0x11: {  	vm2 =	vcmask $0x1F08;
	vm3 =	vcmask $0x1F0C;
	vm4 =	vcmask $0x1F10  }
0x12: {  	vm5 =	vcmask $0x1F14;
	vm0 =	vmor vm1, vm0;
	vm1 =	vcmask $0x3F28  }
0x13: {  	vm6 =	vcmask $0x3F38;
	vm1 =	vmor vm2, vm1;
	vm2 =	vcmask $0x3F2C  }
0x14: {  	vm2 =	vmor vm3, vm2;
	vm3 =	vcmask $0x3F30;
	v1 =	vadd.f32 v2, v1  }
0x15: {  	vm7 =	vcmask $0x1F18;
	vm3 =	vmor vm4, vm3;
	vm4 =	vcmask $0x3F34  }
0x16: {  	vm4 =	vmor vm5, vm4;
	vm5 =	vmor vm7, vm6;
	v2 =	vbroadcast v1, $0x1  }
0x17: {  	vm6 =	vcmask $0x3F3C;
	v3 =	vbroadcast v1, $0x6;
	v4 =	vbroadcast v1, $0x0  }
0x18: {  	vm7 =	vcmask $0x1F1C;
	v5 =	vbroadcast v1, $0x2;
	v6 =	vbroadcast v1, $0x4  }
0x19: {  	vm6 =	vmor vm7, vm6;
	v7 =	vbroadcast v1, $0x5;
	v43 =	vbroadcast v1, $0x7  }
0x1a: {  	vm7 =	veq.f32 v2, v1;
	vm8 =	vgt.f32 v4, v1;
	vm9 =	veq.f32 v4, v1  }
0x1b: {  	vm10 =	veq.f32 v6, v1;
	vm11 =	vgt.f32 v5, v1;
	vm12 =	veq.f32 v7, v1  }
0x1c: {  	vm13 =	vgt.f32 v43, v1;
	vm7 =	vmand vm7, vm1;
	vm9 =	vmand vm9, vm0  }
0x1d: {  	vm10 =	vmand vm10, vm4;
	vm8 =	vmor vm8, vm9;
	vm9 =	vgt.f32 v2, v1  }
0x1e: {  	v45 =	vsel vm13, $0x1, v0;
	v2 =	vbroadcast v1, $0x3;
	vm7 =	vmor vm9, vm7  }
0x1f: {  	vm9 =	veq.f32 v5, v1;
	v46 =	vsel vm8, $0x1, v0;
	v44 =	vsel vm7, $0x1, v0  }
0x20: {  	vm7 =	vgt.f32 v6, v1;
	vm8 =	vgt.f32 v2, v1;
	vm13 =	veq.f32 v2, v1  }
0x21: {  	vm9 =	vmand vm9, vm2;
	vm13 =	vmand vm13, vm3;
	v2 =	vadd.s32 v45, v44  }
0x22: {  	vm9 =	vmor vm11, vm9;
	vm7 =	vmor vm7, vm10;
	vm8 =	vmor vm8, vm13  }
0x23: {  	v47 =	vsel vm9, $0x1, v0;
	v8 =	vsel vm7, $0x1, v0;
	vm7 =	vgt.f32 v7, v1  }
0x24: {  	v2 =	vadd.s32 v46, v2;
	v48 =	vsel vm8, $0x1, v0;
	vm8 =	vmand vm12, vm5  }
0x25: {  	v2 =	vadd.s32 v47, v2;
	vm7 =	vmor vm7, vm8;
	vm8 =	veq.f32 v3, v1  }
0x26: {  	vm15 =	vgt.f32 v3, v1;
	v2 =	vadd.s32 v48, v2;
	vm8 =	vmand vm8, vm6  }
0x27: {  	v3 =	vsel vm7, $0x1, v0;
	v2 =	vadd.s32 v8, v2;
	vm7 =	vmor vm15, vm8  }
0x28: {  	v2 =	vadd.s32 v3, v2;
	v49 =	vsel vm7, $0x1, v0  }
0x29: {  	v2 =	vadd.s32 v49, v2  }
0x2a: {  	vm7 =	vlt.u32 v2, $0x3  }
0x2b: {  	v1 =	vnsel vm7, $0xCE6E6B28, v1  }
0x2c: {  	(v2sf) =	vpush v1, $0x0  }
0x2d: {  	(v2sf) =	vpush v1, $0x1  }
0x2e: {  	(v2sf) =	vpush v1, $0x2  }
0x2f: {  	(v2sf) =	vpush v1, $0x3  }
0x30: {  	(v2sf) =	vpush v1, $0x4  }
0x31: {  	(v2sf) =	vpush v1, $0x5  }
0x32: {  	(v2sf) =	vpush v1, $0x6  }
0x33: {  	(v2sf) =	vpush v1, $0x7;
	_ =	sdelay $0x7  }
0x34: {  	s16 =	spop (v2sf)  }
0x35: {  	s7 =	spop (v2sf)  }
0x36: {  	s6 =	smax.f32 s16, s7;
	s17 =	spop (v2sf)  }
0x37: {  	s6 =	smax.f32 s6, s17;
	s18 =	spop (v2sf)  }
0x38: {  	s6 =	smax.f32 s6, s18;
	s19 =	spop (v2sf)  }
0x39: {  	s6 =	smax.f32 s6, s19;
	s20 =	spop (v2sf)  }
0x3a: {  	s6 =	smax.f32 s6, s20;
	s21 =	spop (v2sf)  }
0x3b: {  	s6 =	smax.f32 s6, s21;
	s22 =	spop (v2sf)  }
0x3c: {  	s6 =	smax.f32 s6, s22  }
0x3d: {  	v2 =	vmov s6  }
0x3e: {  	v1 =	vsub.f32 v1, v2;
	_ =	sdelay $0x1  }
0x3f: {  	v1 =	vmul.f32 $1.442695020e+00, v1;
	_ =	sdelay $0x1  }
0x40: {  	(erf) = vpow2.f32 v1;
	_ =	sdelay $0x8  }
0x41: {  	v1 =	vpop (erf)  }
0x42: {  	(v2sf) =	vpush v1, $0x0  }
0x43: {  	(v2sf) =	vpush v1, $0x1;
	_ =	sdelay $0x1  }
0x44: {  	(v2sf) =	vpush v1, $0x2;
	_ =	sdelay $0x1  }
0x45: {  	(v2sf) =	vpush v1, $0x3;
	_ =	sdelay $0x1  }
0x46: {  	(v2sf) =	vpush v1, $0x4;
	_ =	sdelay $0x1  }
0x47: {  	(v2sf) =	vpush v1, $0x5;
	_ =	sdelay $0x1  }
0x48: {  	(v2sf) =	vpush v1, $0x6;
	_ =	sdelay $0x1  }
0x49: {  	(v2sf) =	vpush v1, $0x7  }
0x4a: {  	v3 =	vld [tilespmem:$0x0]  }
0x4b: {  	v2 =	vld [tilespmem:$0x80];
	s23 =	spop (v2sf)  }
0x4c: {  	s24 =	spop (v2sf)  }
0x4d: {  	v50 =	vld [tilespmem:$0x100];
	s6 =	sadd.f32 s24, s23  }
0x4e: {  	v51 =	vbroadcast v1, $0x0;
	v52 =	vbroadcast v1, $0x1;
	s25 =	spop (v2sf)  }
0x4f: {  	v54 =	vld [tilespmem:$0x180];
	v53 =	vbroadcast v1, $0x2;
	s6 =	sadd.f32 s6, s25  }
0x50: {  	v3 =	vmul.f32 v51, v3;
	v2 =	vmul.f32 v52, v2;
	s26 =	spop (v2sf)  }
0x51: {  	v55 =	vld [tilespmem:$0x200];
	s6 =	sadd.f32 s6, s26  }
0x52: {  	v56 =	vbroadcast v1, $0x3;
	v2 =	vadd.f32 v2, v3;
	v3 =	vmul.f32 v53, v50;
	s28 =	spop (v2sf)  }
0x53: {  	s5 =	ssub.s32 $0x2, s5;
	v57 =	vld [tilespmem:$0x280];
	s6 =	sadd.f32 s6, s28  }
0x54: {  	s31 =	sshrl.u32 s5, $0x1;
	v58 =	vbroadcast v1, $0x4;
	v2 =	vadd.f32 v2, v3;
	v3 =	vmul.f32 v56, v54;
	s29 =	spop (v2sf)  }
0x55: {  	s5 =	ssub.s32 s5, s31;
	v59 =	vld [tilespmem:$0x300];
	s6 =	sadd.f32 s6, s29  }
0x56: {  	s7 =	smax.u32 s5, $0x1;
	v60 =	vbroadcast v1, $0x5;
	v2 =	vadd.f32 v2, v3;
	v3 =	vmul.f32 v58, v55;
	s30 =	spop (v2sf)  }
0x57: {  	v61 =	vld [tilespmem:$0x380];
	p0 =	sne.s32 s7, $0x1;
	s6 =	sadd.f32 s6, s30  }
.Ltmp1:
0x58: {  	v62 =	vbroadcast v1, $0x6;
	v2 =	vadd.f32 v2, v3;
	v3 =	vmul.f32 v60, v57;
	s8 =	spop (v2sf);
	(pc) =	sbr.rel @!p0 .LBB2_3-.Ltmp1, $4  }
0x59: {  	s6 =	sadd.f32 s6, s8  }
0x5a: {  	v1 =	vbroadcast v1, $0x7;
	v2 =	vadd.f32 v2, v3;
	v3 =	vmul.f32 v62, v59  }
0x5b: {  	v63 =	vmov s6  }
0x5c: {  	s5 =	simm.s32 $0x2;
	s7 =	sadd.s32 $0xFFFFFFFF, s7;
	v1 =	vmul.f32 v1, v61;
	v2 =	vadd.f32 v2, v3;
	s6 =	simm.s32 $0x800;
	(erf) = vrcp.f32 v63  }
.LBB2_2:
0x5d: {  	_ =	sdelay $0x6  }
0x5e: {  	v1 =	vadd.f32 v2, v1  }
0x5f: {  	v2 =	vpop (erf)  }
0x60: {  	v1 =	vmul.f32 v2, v1;
	_ =	sdelay $0x1  }
0x61: {  	[tilespmem:$0x800] =	vst v1  }
0x62: {  	[hbm4b:s2+s3] =	stream.linear.scatter [tilespmem:s6], [sflag:$0x2], $0x80, $0x38;
	[tilespmem:$0x880] =	vst v63  }
0x63: {  	_ =	swait.ge [sflag:s5], $0x80  }
0x64: {  	[sflag:s5] =	ssyncset.done $0x0  }
0x65: {  	s8 =	rddreg [dreg:$0x3];
	[sflag:s5] =	ssyncadd.s32 $0xFFFFFF80  }
0x66: {  	[tilespmem:s3], [sflag:$0x1] =	stream.linear.gather [hbm4b:s8+s3], $0x500, $0x38;
	[tilespmem:$0x880] =	vst v63  }
0x67: {  	_ =	swait.ge [sflag:s4], $0x500  }
0x68: {  	[sflag:s4] =	ssyncset.done $0x0  }
0x69: {  	[sflag:s4] =	ssyncadd.s32 $0xFFFFFB00  }
0x6a: {  	v1 =	vld [tilespmem:$0x400]  }
0x6b: {  	v2 =	vld [tilespmem:$0x480];
	_ =	sdelay $0x4  }
0x6c: {  	v1 =	vadd.f32 v2, v1;
	_ =	sdelay $0x1  }
0x6d: {  	v2 =	vbroadcast v1, $0x1  }
0x6e: {  	v3 =	vbroadcast v1, $0x6;
	v4 =	vbroadcast v1, $0x0  }
0x6f: {  	v5 =	vbroadcast v1, $0x2;
	v6 =	vbroadcast v1, $0x4  }
0x70: {  	v7 =	vbroadcast v1, $0x5;
	v47 =	vbroadcast v1, $0x7  }
0x71: {  	vm7 =	veq.f32 v2, v1;
	vm8 =	vgt.f32 v4, v1;
	vm9 =	veq.f32 v4, v1  }
0x72: {  	vm10 =	veq.f32 v6, v1;
	vm11 =	vgt.f32 v5, v1;
	vm12 =	veq.f32 v7, v1  }
0x73: {  	vm13 =	vgt.f32 v47, v1;
	vm7 =	vmand vm7, vm1;
	vm9 =	vmand vm9, vm0  }
0x74: {  	vm10 =	vmand vm10, vm4;
	vm8 =	vmor vm8, vm9;
	vm9 =	vgt.f32 v2, v1  }
0x75: {  	v49 =	vsel vm13, $0x1, v0;
	v2 =	vbroadcast v1, $0x3;
	vm7 =	vmor vm9, vm7  }
0x76: {  	vm9 =	veq.f32 v5, v1;
	v50 =	vsel vm8, $0x1, v0;
	v48 =	vsel vm7, $0x1, v0  }
0x77: {  	vm7 =	vgt.f32 v6, v1;
	vm8 =	vgt.f32 v2, v1;
	vm13 =	veq.f32 v2, v1  }
0x78: {  	vm9 =	vmand vm9, vm2;
	vm13 =	vmand vm13, vm3;
	v2 =	vadd.s32 v49, v48  }
0x79: {  	vm9 =	vmor vm11, vm9;
	vm7 =	vmor vm7, vm10;
	vm8 =	vmor vm8, vm13  }
0x7a: {  	v51 =	vsel vm9, $0x1, v0;
	v8 =	vsel vm7, $0x1, v0;
	vm7 =	vgt.f32 v7, v1  }
0x7b: {  	v2 =	vadd.s32 v50, v2;
	v52 =	vsel vm8, $0x1, v0;
	vm8 =	vmand vm12, vm5  }
0x7c: {  	v2 =	vadd.s32 v51, v2;
	vm7 =	vmor vm7, vm8;
	vm8 =	veq.f32 v3, v1  }
0x7d: {  	vm15 =	vgt.f32 v3, v1;
	v2 =	vadd.s32 v52, v2;
	vm8 =	vmand vm8, vm6  }
0x7e: {  	v3 =	vsel vm7, $0x1, v0;
	v2 =	vadd.s32 v8, v2;
	vm7 =	vmor vm15, vm8  }
0x7f: {  	v2 =	vadd.s32 v3, v2;
	v53 =	vsel vm7, $0x1, v0  }
0x80: {  	v2 =	vadd.s32 v53, v2  }
0x81: {  	vm7 =	vlt.u32 v2, $0x3  }
0x82: {  	v1 =	vnsel vm7, $0xCE6E6B28, v1  }
0x83: {  	(v2sf) =	vpush v1, $0x0  }
0x84: {  	(v2sf) =	vpush v1, $0x1  }
0x85: {  	(v2sf) =	vpush v1, $0x2  }
0x86: {  	(v2sf) =	vpush v1, $0x3  }
0x87: {  	(v2sf) =	vpush v1, $0x4  }
0x88: {  	(v2sf) =	vpush v1, $0x5  }
0x89: {  	(v2sf) =	vpush v1, $0x6  }
0x8a: {  	(v2sf) =	vpush v1, $0x7;
	_ =	sdelay $0x7  }
0x8b: {  	s16 =	spop (v2sf)  }
0x8c: {  	s9 =	spop (v2sf)  }
0x8d: {  	s8 =	smax.f32 s16, s9;
	s17 =	spop (v2sf)  }
0x8e: {  	s8 =	smax.f32 s8, s17;
	s18 =	spop (v2sf)  }
0x8f: {  	s8 =	smax.f32 s8, s18;
	s19 =	spop (v2sf)  }
0x90: {  	s8 =	smax.f32 s8, s19;
	s20 =	spop (v2sf)  }
0x91: {  	s8 =	smax.f32 s8, s20;
	s21 =	spop (v2sf)  }
0x92: {  	s8 =	smax.f32 s8, s21;
	s22 =	spop (v2sf)  }
0x93: {  	s8 =	smax.f32 s8, s22  }
0x94: {  	v2 =	vmov s8  }
0x95: {  	v1 =	vsub.f32 v1, v2;
	_ =	sdelay $0x1  }
0x96: {  	v1 =	vmul.f32 $1.442695020e+00, v1;
	_ =	sdelay $0x1  }
0x97: {  	(erf) = vpow2.f32 v1;
	_ =	sdelay $0x8  }
0x98: {  	v54 =	vpop (erf)  }
0x99: {  	(v2sf) =	vpush v54, $0x0  }
0x9a: {  	(v2sf) =	vpush v54, $0x1;
	_ =	sdelay $0x1  }
0x9b: {  	(v2sf) =	vpush v54, $0x2;
	_ =	sdelay $0x1  }
0x9c: {  	(v2sf) =	vpush v54, $0x3;
	_ =	sdelay $0x1  }
0x9d: {  	(v2sf) =	vpush v54, $0x4;
	_ =	sdelay $0x1  }
0x9e: {  	(v2sf) =	vpush v54, $0x5;
	_ =	sdelay $0x1  }
0x9f: {  	(v2sf) =	vpush v54, $0x6;
	_ =	sdelay $0x1  }
0xa0: {  	v2 =	vld [tilespmem:$0x0];
	(v2sf) =	vpush v54, $0x7  }
0xa1: {  	v1 =	vld [tilespmem:$0x80]  }
0xa2: {  	s23 =	spop (v2sf)  }
0xa3: {  	v3 =	vld [tilespmem:$0x100];
	s24 =	spop (v2sf)  }
0xa4: {  	v55 =	vbroadcast v54, $0x0;
	v56 =	vbroadcast v54, $0x1;
	s8 =	sadd.f32 s24, s23  }
0xa5: {  	v9 =	vld [tilespmem:$0x180];
	v58 =	vbroadcast v54, $0x2;
	s25 =	spop (v2sf)  }
0xa6: {  	v57 =	vld [tilespmem:$0x380];
	v2 =	vmul.f32 v55, v2;
	v1 =	vmul.f32 v56, v1;
	s8 =	sadd.f32 s8, s25  }
0xa7: {  	v59 =	vld [tilespmem:$0x200];
	s26 =	spop (v2sf)  }
0xa8: {  	v10 =	vbroadcast v54, $0x3;
	v1 =	vadd.f32 v1, v2;
	v2 =	vmul.f32 v58, v3;
	s8 =	sadd.f32 s8, s26  }
0xa9: {  	v61 =	vld [tilespmem:$0x280];
	v3 =	vbroadcast v54, $0x7;
	s28 =	spop (v2sf)  }
0xaa: {  	v60 =	vbroadcast v54, $0x4;
	v9 =	vmul.f32 v10, v9;
	v2 =	vadd.f32 v1, v2;
	s8 =	sadd.f32 s8, s28  }
0xab: {  	v1 =	vmul.f32 v3, v57;
	v3 =	vld [tilespmem:$0x300];
	s29 =	spop (v2sf)  }
0xac: {  	v11 =	vbroadcast v54, $0x5;
	v5 =	vmul.f32 v60, v59;
	v2 =	vadd.f32 v2, v9;
	s8 =	sadd.f32 s8, s29  }
0xad: {  	s30 =	spop (v2sf)  }
0xae: {  	p0 =	sne.s32 s7, $0x1;
	v63 =	vbroadcast v54, $0x6;
	v62 =	vmul.f32 v11, v61;
	v2 =	vadd.f32 v2, v5;
	s8 =	sadd.f32 s8, s30  }
.Ltmp2:
0xaf: {  	s31 =	spop (v2sf);
	(pc) =	sbr.rel @p0 .LBB2_2-.Ltmp2, $3  }
0xb0: {  	v3 =	vmul.f32 v63, v3;
	v2 =	vadd.f32 v2, v62;
	s8 =	sadd.f32 s8, s31;
	_ =	sdelay $0x1  }
0xb1: {  	v2 =	vadd.f32 v2, v3;
	v3 =	vmov s8  }
0xb2: {  	s7 =	sadd.s32 $0xFFFFFFFF, s7;
	(erf) = vrcp.f32 v3  }
.LBB2_3:
0xb3: {  	_ =	sdelay $0x6  }
0xb4: {  	v0 =	vadd.f32 v2, v1  }
0xb5: {  	v63 =	vpop (erf)  }
0xb6: {  	v0 =	vmul.f32 v63, v0;
	_ =	sdelay $0x1  }
0xb7: {  	[tilespmem:$0x800] =	vst v0  }
0xb8: {  	[hbm4b:s2+s3] =	stream.linear.scatter [tilespmem:s6], [sflag:$0x2], $0x80, $0x38;
	[tilespmem:$0x880] =	vst v63  }
0xb9: {  	_ =	swait.ge [sflag:s5], $0x80  }
0xba: {  	[sflag:s5] =	ssyncset.done $0x0  }
0xbb: {  	[sflag:s5] =	ssyncadd.s32 $0xFFFFFF80  }
.LBB2_4:
0xbc: {  	_ =	sfence.sel $0x180000  }
0xbd: {  	[bflag:$0x0] =	sbarrier.arrive $0xFFFF  }
0xbe: {  	p0 =	sne.s32 s0, $0x0;
	_ =	strace $0x90000047  }
0xbf: {  	s0 =	sadd.s32 @!p0 $0x100000, s1;
	[bflag:$0x2] =	sbarrier.arrive $0xFFFF  }
0xc0: {  	[sflag:s0] =	ssyncadd.tile.s32 @!p0 $0x1;
	_ =	shalt  }
.Lfunc_end2:
_tile_overlayer_lowered:
.L_overlay_start_2:
0xc1: {  	(tag) =	ssettag $0x2  }
0xc2: {  	s0 =	rddreg [dreg:$0x0];
	s2 =	stileid.u32  }
0xc3: {  	s1 =	rddreg [dreg:$0x1];
	p0 =	sne.s32 s2, $0x0  }
0xc4: {  	s3 =	rddreg [dreg:$0x2];
	[bflag:$0x3] =	sbarrier.arrive $0xFFFF;
	s2 =	simm.s32 @!p0 $0x1C02  }
0xc5: {  	[timem:s3], [sflag:s2] =	dma.local @!p0 [hbm:s0], s1  }
0xc6: {  	s0 =	simm.s32 @!p0 $0x2  }
0xc7: {  	_ =	swait.ge @!p0 [sflag:s0], s1  }
0xc8: {  	s1 =	ssub.s32 @!p0 $0x0, s1;
	[sflag:s0] =	ssyncset.done @!p0 $0x0  }
0xc9: {  	[sflag:s0] =	ssyncadd.s32 @!p0 s1  }
0xca: {  	[bflag:$0x3] =	sbarrier.arrive $0xFFFF  }
0xcb: {  	_ =	shalt  }

</sc_bundles>
